<compile_context>
chip_gen: v7x
topology: tpu7x:2x2x1
jax: 0.10.2.dev20260603
libtpu: 0.0.44.dev20260713+nightly
codegen_flags: <defaults>
</compile_context>

<pallas_src>
import functools

import jax
import jax.numpy as jnp
from jax import lax
from jax.experimental import pallas as pl
from jax.experimental.pallas import tpu as pltpu
from jax.experimental.pallas import tpu_sc as plsc

ROWS = 128
COLS = 32768
LANES = 16
NUM_CORES = 2
NUM_SUBCORES = 16
NUM_WORKERS = NUM_CORES * NUM_SUBCORES
SC_ROWS_PER_WORKER = 1
SC_ROWS = NUM_WORKERS * SC_ROWS_PER_WORKER
TC_ROWS = ROWS - SC_ROWS
VECS = COLS // LANES
UNROLL = 16
NACC = 4
TC_BLOCK_ROWS = 16


def _row_argmin(buf, lane_iota):

    def body(i, carry):
        minvs, minis = carry
        minvs = list(minvs)
        minis = list(minis)
        base = i * (LANES * UNROLL)
        for u in range(UNROLL):
            k = u % NACC
            off = base + u * LANES
            v = buf[pl.ds(off, LANES)]
            idxv = lane_iota + off
            pred = v < minvs[k]
            minvs[k] = jnp.where(pred, v, minvs[k])
            minis[k] = jnp.where(pred, idxv, minis[k])
        return tuple(minvs), tuple(minis)

    minv0 = jnp.full((LANES,), jnp.inf, jnp.float32)
    mini0 = jnp.zeros((LANES,), jnp.int32)
    minvs, minis = lax.fori_loop(
        0, VECS // UNROLL, body, ((minv0,) * NACC, (mini0,) * NACC)
    )
    minv, mini = minvs[0], minis[0]
    for k in range(1, NACC):
        pred = (minvs[k] < minv) | ((minvs[k] == minv) & (minis[k] < mini))
        minv = jnp.where(pred, minvs[k], minv)
        mini = jnp.where(pred, minis[k], mini)
    m = jnp.min(minv)
    cand = jnp.where(minv == m, mini, jnp.int32(COLS))
    return jnp.min(cand)


@functools.partial(
    pl.kernel,
    out_type=jax.ShapeDtypeStruct((SC_ROWS, LANES), jnp.int32),
    mesh=plsc.VectorSubcoreMesh(
        core_axis_name="c",
        subcore_axis_name="s",
        num_cores=NUM_CORES,
        num_subcores=NUM_SUBCORES,
    ),
    scratch_types=[
        pltpu.VMEM((COLS,), jnp.float32),
        pltpu.VMEM((COLS,), jnp.float32),
        pltpu.VMEM((LANES,), jnp.int32),
        pltpu.SemaphoreType.DMA,
        pltpu.SemaphoreType.DMA,
    ],
    compiler_params=pltpu.CompilerParams(needs_layout_passes=False),
)
def _argmin_sc(x_hbm, out_hbm, buf0, buf1, res_ref, sem0, sem1):
    wid = lax.axis_index("s") * NUM_CORES + lax.axis_index("c")
    base = wid * SC_ROWS_PER_WORKER
    lane_iota = lax.iota(jnp.int32, LANES)
    bufs = (buf0, buf1)
    sems = (sem0, sem1)
    copies = [None] * SC_ROWS_PER_WORKER
    copies[0] = pltpu.async_copy(x_hbm.at[base], buf0, sem0)
    res = jnp.zeros((LANES,), jnp.int32)
    for j in range(SC_ROWS_PER_WORKER):
        copies[j].wait()
        if j + 1 < SC_ROWS_PER_WORKER:
            copies[j + 1] = pltpu.async_copy(
                x_hbm.at[base + j + 1], bufs[(j + 1) % 2], sems[(j + 1) % 2]
            )
        val = _row_argmin(bufs[j % 2], lane_iota)
        res_ref[...] = jnp.where(lane_iota == 0, val, res)
        pltpu.sync_copy(res_ref, out_hbm.at[base + j])


def _argmin_tc_body(x_ref, out_ref):
    xb = x_ref[...]
    rm = jnp.min(xb, axis=1, keepdims=True)
    idx = lax.broadcasted_iota(jnp.int32, (TC_BLOCK_ROWS, COLS), 1)
    cand = jnp.where(xb == rm, idx, jnp.int32(COLS))
    out_ref[...] = jnp.min(cand, axis=1).reshape(1, 1, TC_BLOCK_ROWS)


_argmin_tc = pl.pallas_call(
    _argmin_tc_body,
    grid=(TC_ROWS // TC_BLOCK_ROWS,),
    in_specs=[
        pl.BlockSpec(
            (TC_BLOCK_ROWS, COLS), lambda i: (i + SC_ROWS // TC_BLOCK_ROWS, 0)
        )
    ],
    out_specs=pl.BlockSpec((1, 1, TC_BLOCK_ROWS), lambda i: (i, 0, 0)),
    out_shape=jax.ShapeDtypeStruct(
        (TC_ROWS // TC_BLOCK_ROWS, 1, TC_BLOCK_ROWS), jnp.int32
    ),
)


def kernel(x):
    tc_out = _argmin_tc(x)
    sc_pad = _argmin_sc(x)
    flat = jnp.concatenate([sc_pad[:, 0], tc_out.reshape(TC_ROWS)])
    return (flat.reshape(ROWS, 1), flat)

# --- scband reference (transcript-rebuilt; emitter-appended) ---
"""Pipeline reference for scband-model-33397665694585 (READ-ONLY COPY).

The authoritative reference and input builder live on the scoring server;
editing this copy changes nothing except your own understanding.
"""

import jax, jax.numpy as jnp
import numpy as np


def setup_inputs(seed: int = 0) -> dict:
    key = jax.random.key(seed)
    x = jax.random.normal(key, (128, 32768), dtype=jnp.float32)
    return {"x": x}


def reference(x):
    # Faithful translation of torch.argmin with keepdim=True and keepdim=False
    y_keepdims_true = jnp.argmin(x, axis=1, keepdims=True)
    y_keepdims_false = jnp.argmin(x, axis=1)
    return (y_keepdims_true, y_keepdims_false)

if __name__ == "__main__":
    import jax
    _d = setup_inputs()
    print(jax.jit(kernel)(*tuple(_d.values())))

</pallas_src>

<mosaic_0001>
#map = affine_map<(d0, d1) -> (0, 0)>
module attributes {stable_mosaic.version = 14 : i64} {
  func.func @_argmin_sc(%arg0: i32, %arg1: i32, %arg2: memref<128x32768xf32, #tpu.memory_space<hbm>>, %arg3: memref<32x16xi32, #tpu.memory_space<hbm>>, %arg4: memref<32768xf32, #tpu.memory_space<vmem>>, %arg5: memref<32768xf32, #tpu.memory_space<vmem>>, %arg6: memref<16xi32, #tpu.memory_space<vmem>>, %arg7: memref<!tpu.dma_semaphore, #tpu.memory_space<semaphore_mem>>, %arg8: memref<!tpu.dma_semaphore, #tpu.memory_space<semaphore_mem>>) attributes {dimension_semantics = [#tpu.dimension_semantics<core_parallel>, #tpu.dimension_semantics<subcore_parallel>], iteration_bounds = array<i64: 2, 16>, scalar_prefetch = 0 : i64, scratch_operands = 5 : i64, tpu.core_type = #tpu.core_type<sc_vector_subcore>, window_params = [{transform_indices = #map}, {transform_indices = #map}]} {
    %mul3A = arith.constant 2 : i32
    %mul3A_0 = arith.muli %arg1, %mul3A : i32
    %add3A = arith.addi %mul3A_0, %arg0 : i32
    %mul3A_1 = arith.constant 1 : i32
    %mul3A_2 = arith.muli %add3A, %mul3A_1 : i32
    %iota3A = tpu.iota {dimensions = array<i32: 0>} : vector<16xi32>
    %dma_start3A = arith.constant 0 : i32
    %dma_start3A_3 = tpu.memref_slice %arg2[%mul3A_2, %dma_start3A] : memref<128x32768xf32, #tpu.memory_space<hbm>> -> memref<1x32768xf32, #tpu.memory_space<hbm>>
    %dma_start3A_4 = tpu.memref_squeeze %dma_start3A_3 : memref<1x32768xf32, #tpu.memory_space<hbm>> -> memref<32768xf32, #tpu.memory_space<hbm>>
    %dma_start3A_5 = arith.constant 0 : i32
    %dma_start3A_6 = tpu.memref_slice %arg2[%mul3A_2, %dma_start3A_5] : memref<128x32768xf32, #tpu.memory_space<hbm>> -> memref<1x32768xf32, #tpu.memory_space<hbm>>
    %dma_start3A_7 = tpu.memref_squeeze %dma_start3A_6 : memref<1x32768xf32, #tpu.memory_space<hbm>> -> memref<32768xf32, #tpu.memory_space<hbm>>
    tpu.enqueue_dma source(%dma_start3A_7 : memref<32768xf32, #tpu.memory_space<hbm>>) target(%arg4 : memref<32768xf32, #tpu.memory_space<vmem>>) target_semaphore(%arg7 : memref<!tpu.dma_semaphore, #tpu.memory_space<semaphore_mem>>)
    %broadcast_in_dim3A = arith.constant 0 : i32
    %broadcast_in_dim3A_8 = vector.broadcast %broadcast_in_dim3A : i32 to vector<16xi32>
    %dma_wait3A = arith.constant 0 : i32
    %dma_wait3A_9 = tpu.memref_slice %arg2[%mul3A_2, %dma_wait3A] : memref<128x32768xf32, #tpu.memory_space<hbm>> -> memref<1x32768xf32, #tpu.memory_space<hbm>>
    %dma_wait3A_10 = tpu.memref_squeeze %dma_wait3A_9 : memref<1x32768xf32, #tpu.memory_space<hbm>> -> memref<32768xf32, #tpu.memory_space<hbm>>
    %dma_wait3A_11 = arith.constant 0 : i32
    %dma_wait3A_12 = tpu.memref_slice %arg2[%mul3A_2, %dma_wait3A_11] : memref<128x32768xf32, #tpu.memory_space<hbm>> -> memref<1x32768xf32, #tpu.memory_space<hbm>>
    %dma_wait3A_13 = tpu.memref_squeeze %dma_wait3A_12 : memref<1x32768xf32, #tpu.memory_space<hbm>> -> memref<32768xf32, #tpu.memory_space<hbm>>
    tpu.wait_dma2 semaphore(%arg7 : memref<!tpu.dma_semaphore, #tpu.memory_space<semaphore_mem>>) src(%dma_wait3A_13 : memref<32768xf32, #tpu.memory_space<hbm>>) dst(%arg4 : memref<32768xf32, #tpu.memory_space<vmem>>)
    %broadcast_in_dim3A_14 = arith.constant 0x7F800000 : f32
    %broadcast_in_dim3A_15 = vector.broadcast %broadcast_in_dim3A_14 : f32 to vector<16xf32>
    %broadcast_in_dim3A_16 = arith.constant 0 : i32
    %broadcast_in_dim3A_17 = vector.broadcast %broadcast_in_dim3A_16 : i32 to vector<16xi32>
    %scan3A = arith.constant 0 : i32
    %scan3A_18 = arith.constant 128 : i32
    %scan3A_19 = arith.addi %scan3A, %scan3A_18 : i32
    %scan3A_20 = arith.constant 1 : i32
    %scan3A_21:8 = scf.for %scan3A_62 = %scan3A to %scan3A_19 step %scan3A_20 iter_args(%scan3A_63 = %broadcast_in_dim3A_15, %scan3A_64 = %broadcast_in_dim3A_15, %scan3A_65 = %broadcast_in_dim3A_15, %scan3A_66 = %broadcast_in_dim3A_15, %scan3A_67 = %broadcast_in_dim3A_17, %scan3A_68 = %broadcast_in_dim3A_17, %scan3A_69 = %broadcast_in_dim3A_17, %scan3A_70 = %broadcast_in_dim3A_17) -> (vector<16xf32>, vector<16xf32>, vector<16xf32>, vector<16xf32>, vector<16xi32>, vector<16xi32>, vector<16xi32>, vector<16xi32>)  : i32 {
      %mul3A_71 = arith.constant 256 : i32
      %mul3A_72 = arith.muli %scan3A_62, %mul3A_71 : i32
      %add3A_73 = arith.constant 0 : i32
      %add3A_74 = arith.addi %mul3A_72, %add3A_73 : i32
      %get3A = arith.index_cast %add3A_74 : i32 to index
      %get3A_75 = tpu.vector_load %arg4[%get3A] {strides = array<i32>} : memref<32768xf32, #tpu.memory_space<vmem>>, vector<16xf32>,
      %add3A_76 = vector.broadcast %add3A_74 : i32 to vector<16xi32>
      %add3A_77 = arith.addi %iota3A, %add3A_76 : vector<16xi32>
      %lt3A_78 = arith.cmpf olt, %get3A_75, %scan3A_63 : vector<16xf32>
      %select_n3A_79 = arith.select %lt3A_78, %get3A_75, %scan3A_63 : vector<16xi1>, vector<16xf32>
      %select_n3A_80 = arith.select %lt3A_78, %add3A_77, %scan3A_67 : vector<16xi1>, vector<16xi32>
      %add3A_81 = arith.constant 16 : i32
      %add3A_82 = arith.addi %mul3A_72, %add3A_81 : i32
      %get3A_83 = arith.index_cast %add3A_82 : i32 to index
      %get3A_84 = tpu.vector_load %arg4[%get3A_83] {strides = array<i32>} : memref<32768xf32, #tpu.memory_space<vmem>>, vector<16xf32>,
      %add3A_85 = vector.broadcast %add3A_82 : i32 to vector<16xi32>
      %add3A_86 = arith.addi %iota3A, %add3A_85 : vector<16xi32>
      %lt3A_87 = arith.cmpf olt, %get3A_84, %scan3A_64 : vector<16xf32>
      %select_n3A_88 = arith.select %lt3A_87, %get3A_84, %scan3A_64 : vector<16xi1>, vector<16xf32>
      %select_n3A_89 = arith.select %lt3A_87, %add3A_86, %scan3A_68 : vector<16xi1>, vector<16xi32>
      %add3A_90 = arith.constant 32 : i32
      %add3A_91 = arith.addi %mul3A_72, %add3A_90 : i32
      %get3A_92 = arith.index_cast %add3A_91 : i32 to index
      %get3A_93 = tpu.vector_load %arg4[%get3A_92] {strides = array<i32>} : memref<32768xf32, #tpu.memory_space<vmem>>, vector<16xf32>,
      %add3A_94 = vector.broadcast %add3A_91 : i32 to vector<16xi32>
      %add3A_95 = arith.addi %iota3A, %add3A_94 : vector<16xi32>
      %lt3A_96 = arith.cmpf olt, %get3A_93, %scan3A_65 : vector<16xf32>
      %select_n3A_97 = arith.select %lt3A_96, %get3A_93, %scan3A_65 : vector<16xi1>, vector<16xf32>
      %select_n3A_98 = arith.select %lt3A_96, %add3A_95, %scan3A_69 : vector<16xi1>, vector<16xi32>
      %add3A_99 = arith.constant 48 : i32
      %add3A_100 = arith.addi %mul3A_72, %add3A_99 : i32
      %get3A_101 = arith.index_cast %add3A_100 : i32 to index
      %get3A_102 = tpu.vector_load %arg4[%get3A_101] {strides = array<i32>} : memref<32768xf32, #tpu.memory_space<vmem>>, vector<16xf32>,
      %add3A_103 = vector.broadcast %add3A_100 : i32 to vector<16xi32>
      %add3A_104 = arith.addi %iota3A, %add3A_103 : vector<16xi32>
      %lt3A_105 = arith.cmpf olt, %get3A_102, %scan3A_66 : vector<16xf32>
      %select_n3A_106 = arith.select %lt3A_105, %get3A_102, %scan3A_66 : vector<16xi1>, vector<16xf32>
      %select_n3A_107 = arith.select %lt3A_105, %add3A_104, %scan3A_70 : vector<16xi1>, vector<16xi32>
      %add3A_108 = arith.constant 64 : i32
      %add3A_109 = arith.addi %mul3A_72, %add3A_108 : i32
      %get3A_110 = arith.index_cast %add3A_109 : i32 to index
      %get3A_111 = tpu.vector_load %arg4[%get3A_110] {strides = array<i32>} : memref<32768xf32, #tpu.memory_space<vmem>>, vector<16xf32>,
      %add3A_112 = vector.broadcast %add3A_109 : i32 to vector<16xi32>
      %add3A_113 = arith.addi %iota3A, %add3A_112 : vector<16xi32>
      %lt3A_114 = arith.cmpf olt, %get3A_111, %select_n3A_79 : vector<16xf32>
      %select_n3A_115 = arith.select %lt3A_114, %get3A_111, %select_n3A_79 : vector<16xi1>, vector<16xf32>
      %select_n3A_116 = arith.select %lt3A_114, %add3A_113, %select_n3A_80 : vector<16xi1>, vector<16xi32>
      %add3A_117 = arith.constant 80 : i32
      %add3A_118 = arith.addi %mul3A_72, %add3A_117 : i32
      %get3A_119 = arith.index_cast %add3A_118 : i32 to index
      %get3A_120 = tpu.vector_load %arg4[%get3A_119] {strides = array<i32>} : memref<32768xf32, #tpu.memory_space<vmem>>, vector<16xf32>,
      %add3A_121 = vector.broadcast %add3A_118 : i32 to vector<16xi32>
      %add3A_122 = arith.addi %iota3A, %add3A_121 : vector<16xi32>
      %lt3A_123 = arith.cmpf olt, %get3A_120, %select_n3A_88 : vector<16xf32>
      %select_n3A_124 = arith.select %lt3A_123, %get3A_120, %select_n3A_88 : vector<16xi1>, vector<16xf32>
      %select_n3A_125 = arith.select %lt3A_123, %add3A_122, %select_n3A_89 : vector<16xi1>, vector<16xi32>
      %add3A_126 = arith.constant 96 : i32
      %add3A_127 = arith.addi %mul3A_72, %add3A_126 : i32
      %get3A_128 = arith.index_cast %add3A_127 : i32 to index
      %get3A_129 = tpu.vector_load %arg4[%get3A_128] {strides = array<i32>} : memref<32768xf32, #tpu.memory_space<vmem>>, vector<16xf32>,
      %add3A_130 = vector.broadcast %add3A_127 : i32 to vector<16xi32>
      %add3A_131 = arith.addi %iota3A, %add3A_130 : vector<16xi32>
      %lt3A_132 = arith.cmpf olt, %get3A_129, %select_n3A_97 : vector<16xf32>
      %select_n3A_133 = arith.select %lt3A_132, %get3A_129, %select_n3A_97 : vector<16xi1>, vector<16xf32>
      %select_n3A_134 = arith.select %lt3A_132, %add3A_131, %select_n3A_98 : vector<16xi1>, vector<16xi32>
      %add3A_135 = arith.constant 112 : i32
      %add3A_136 = arith.addi %mul3A_72, %add3A_135 : i32
      %get3A_137 = arith.index_cast %add3A_136 : i32 to index
      %get3A_138 = tpu.vector_load %arg4[%get3A_137] {strides = array<i32>} : memref<32768xf32, #tpu.memory_space<vmem>>, vector<16xf32>,
      %add3A_139 = vector.broadcast %add3A_136 : i32 to vector<16xi32>
      %add3A_140 = arith.addi %iota3A, %add3A_139 : vector<16xi32>
      %lt3A_141 = arith.cmpf olt, %get3A_138, %select_n3A_106 : vector<16xf32>
      %select_n3A_142 = arith.select %lt3A_141, %get3A_138, %select_n3A_106 : vector<16xi1>, vector<16xf32>
      %select_n3A_143 = arith.select %lt3A_141, %add3A_140, %select_n3A_107 : vector<16xi1>, vector<16xi32>
      %add3A_144 = arith.constant 128 : i32
      %add3A_145 = arith.addi %mul3A_72, %add3A_144 : i32
      %get3A_146 = arith.index_cast %add3A_145 : i32 to index
      %get3A_147 = tpu.vector_load %arg4[%get3A_146] {strides = array<i32>} : memref<32768xf32, #tpu.memory_space<vmem>>, vector<16xf32>,
      %add3A_148 = vector.broadcast %add3A_145 : i32 to vector<16xi32>
      %add3A_149 = arith.addi %iota3A, %add3A_148 : vector<16xi32>
      %lt3A_150 = arith.cmpf olt, %get3A_147, %select_n3A_115 : vector<16xf32>
      %select_n3A_151 = arith.select %lt3A_150, %get3A_147, %select_n3A_115 : vector<16xi1>, vector<16xf32>
      %select_n3A_152 = arith.select %lt3A_150, %add3A_149, %select_n3A_116 : vector<16xi1>, vector<16xi32>
      %add3A_153 = arith.constant 144 : i32
      %add3A_154 = arith.addi %mul3A_72, %add3A_153 : i32
      %get3A_155 = arith.index_cast %add3A_154 : i32 to index
      %get3A_156 = tpu.vector_load %arg4[%get3A_155] {strides = array<i32>} : memref<32768xf32, #tpu.memory_space<vmem>>, vector<16xf32>,
      %add3A_157 = vector.broadcast %add3A_154 : i32 to vector<16xi32>
      %add3A_158 = arith.addi %iota3A, %add3A_157 : vector<16xi32>
      %lt3A_159 = arith.cmpf olt, %get3A_156, %select_n3A_124 : vector<16xf32>
      %select_n3A_160 = arith.select %lt3A_159, %get3A_156, %select_n3A_124 : vector<16xi1>, vector<16xf32>
      %select_n3A_161 = arith.select %lt3A_159, %add3A_158, %select_n3A_125 : vector<16xi1>, vector<16xi32>
      %add3A_162 = arith.constant 160 : i32
      %add3A_163 = arith.addi %mul3A_72, %add3A_162 : i32
      %get3A_164 = arith.index_cast %add3A_163 : i32 to index
      %get3A_165 = tpu.vector_load %arg4[%get3A_164] {strides = array<i32>} : memref<32768xf32, #tpu.memory_space<vmem>>, vector<16xf32>,
      %add3A_166 = vector.broadcast %add3A_163 : i32 to vector<16xi32>
      %add3A_167 = arith.addi %iota3A, %add3A_166 : vector<16xi32>
      %lt3A_168 = arith.cmpf olt, %get3A_165, %select_n3A_133 : vector<16xf32>
      %select_n3A_169 = arith.select %lt3A_168, %get3A_165, %select_n3A_133 : vector<16xi1>, vector<16xf32>
      %select_n3A_170 = arith.select %lt3A_168, %add3A_167, %select_n3A_134 : vector<16xi1>, vector<16xi32>
      %add3A_171 = arith.constant 176 : i32
      %add3A_172 = arith.addi %mul3A_72, %add3A_171 : i32
      %get3A_173 = arith.index_cast %add3A_172 : i32 to index
      %get3A_174 = tpu.vector_load %arg4[%get3A_173] {strides = array<i32>} : memref<32768xf32, #tpu.memory_space<vmem>>, vector<16xf32>,
      %add3A_175 = vector.broadcast %add3A_172 : i32 to vector<16xi32>
      %add3A_176 = arith.addi %iota3A, %add3A_175 : vector<16xi32>
      %lt3A_177 = arith.cmpf olt, %get3A_174, %select_n3A_142 : vector<16xf32>
      %select_n3A_178 = arith.select %lt3A_177, %get3A_174, %select_n3A_142 : vector<16xi1>, vector<16xf32>
      %select_n3A_179 = arith.select %lt3A_177, %add3A_176, %select_n3A_143 : vector<16xi1>, vector<16xi32>
      %add3A_180 = arith.constant 192 : i32
      %add3A_181 = arith.addi %mul3A_72, %add3A_180 : i32
      %get3A_182 = arith.index_cast %add3A_181 : i32 to index
      %get3A_183 = tpu.vector_load %arg4[%get3A_182] {strides = array<i32>} : memref<32768xf32, #tpu.memory_space<vmem>>, vector<16xf32>,
      %add3A_184 = vector.broadcast %add3A_181 : i32 to vector<16xi32>
      %add3A_185 = arith.addi %iota3A, %add3A_184 : vector<16xi32>
      %lt3A_186 = arith.cmpf olt, %get3A_183, %select_n3A_151 : vector<16xf32>
      %select_n3A_187 = arith.select %lt3A_186, %get3A_183, %select_n3A_151 : vector<16xi1>, vector<16xf32>
      %select_n3A_188 = arith.select %lt3A_186, %add3A_185, %select_n3A_152 : vector<16xi1>, vector<16xi32>
      %add3A_189 = arith.constant 208 : i32
      %add3A_190 = arith.addi %mul3A_72, %add3A_189 : i32
      %get3A_191 = arith.index_cast %add3A_190 : i32 to index
      %get3A_192 = tpu.vector_load %arg4[%get3A_191] {strides = array<i32>} : memref<32768xf32, #tpu.memory_space<vmem>>, vector<16xf32>,
      %add3A_193 = vector.broadcast %add3A_190 : i32 to vector<16xi32>
      %add3A_194 = arith.addi %iota3A, %add3A_193 : vector<16xi32>
      %lt3A_195 = arith.cmpf olt, %get3A_192, %select_n3A_160 : vector<16xf32>
      %select_n3A_196 = arith.select %lt3A_195, %get3A_192, %select_n3A_160 : vector<16xi1>, vector<16xf32>
      %select_n3A_197 = arith.select %lt3A_195, %add3A_194, %select_n3A_161 : vector<16xi1>, vector<16xi32>
      %add3A_198 = arith.constant 224 : i32
      %add3A_199 = arith.addi %mul3A_72, %add3A_198 : i32
      %get3A_200 = arith.index_cast %add3A_199 : i32 to index
      %get3A_201 = tpu.vector_load %arg4[%get3A_200] {strides = array<i32>} : memref<32768xf32, #tpu.memory_space<vmem>>, vector<16xf32>,
      %add3A_202 = vector.broadcast %add3A_199 : i32 to vector<16xi32>
      %add3A_203 = arith.addi %iota3A, %add3A_202 : vector<16xi32>
      %lt3A_204 = arith.cmpf olt, %get3A_201, %select_n3A_169 : vector<16xf32>
      %select_n3A_205 = arith.select %lt3A_204, %get3A_201, %select_n3A_169 : vector<16xi1>, vector<16xf32>
      %select_n3A_206 = arith.select %lt3A_204, %add3A_203, %select_n3A_170 : vector<16xi1>, vector<16xi32>
      %add3A_207 = arith.constant 240 : i32
      %add3A_208 = arith.addi %mul3A_72, %add3A_207 : i32
      %get3A_209 = arith.index_cast %add3A_208 : i32 to index
      %get3A_210 = tpu.vector_load %arg4[%get3A_209] {strides = array<i32>} : memref<32768xf32, #tpu.memory_space<vmem>>, vector<16xf32>,
      %add3A_211 = vector.broadcast %add3A_208 : i32 to vector<16xi32>
      %add3A_212 = arith.addi %iota3A, %add3A_211 : vector<16xi32>
      %lt3A_213 = arith.cmpf olt, %get3A_210, %select_n3A_178 : vector<16xf32>
      %select_n3A_214 = arith.select %lt3A_213, %get3A_210, %select_n3A_178 : vector<16xi1>, vector<16xf32>
      %select_n3A_215 = arith.select %lt3A_213, %add3A_212, %select_n3A_179 : vector<16xi1>, vector<16xi32>
      scf.yield %select_n3A_187, %select_n3A_196, %select_n3A_205, %select_n3A_214, %select_n3A_188, %select_n3A_197, %select_n3A_206, %select_n3A_215 : vector<16xf32>, vector<16xf32>, vector<16xf32>, vector<16xf32>, vector<16xi32>, vector<16xi32>, vector<16xi32>, vector<16xi32>
    }
    %scan3A_22 = arith.constant 128 : i32
    %lt3A = arith.cmpf olt, %scan3A_21#1, %scan3A_21#0 : vector<16xf32>
    %eq3A = arith.cmpf oeq, %scan3A_21#1, %scan3A_21#0 : vector<16xf32>
    %lt3A_23 = arith.cmpi slt, %scan3A_21#5, %scan3A_21#4 : vector<16xi32>
    %and3A = arith.andi %eq3A, %lt3A_23 : vector<16xi1>
    %or3A = arith.ori %lt3A, %and3A : vector<16xi1>
    %select_n3A = arith.select %or3A, %scan3A_21#1, %scan3A_21#0 : vector<16xi1>, vector<16xf32>
    %select_n3A_24 = arith.select %or3A, %scan3A_21#5, %scan3A_21#4 : vector<16xi1>, vector<16xi32>
    %lt3A_25 = arith.cmpf olt, %scan3A_21#2, %select_n3A : vector<16xf32>
    %eq3A_26 = arith.cmpf oeq, %scan3A_21#2, %select_n3A : vector<16xf32>
    %lt3A_27 = arith.cmpi slt, %scan3A_21#6, %select_n3A_24 : vector<16xi32>
    %and3A_28 = arith.andi %eq3A_26, %lt3A_27 : vector<16xi1>
    %or3A_29 = arith.ori %lt3A_25, %and3A_28 : vector<16xi1>
    %select_n3A_30 = arith.select %or3A_29, %scan3A_21#2, %select_n3A : vector<16xi1>, vector<16xf32>
    %select_n3A_31 = arith.select %or3A_29, %scan3A_21#6, %select_n3A_24 : vector<16xi1>, vector<16xi32>
    %lt3A_32 = arith.cmpf olt, %scan3A_21#3, %select_n3A_30 : vector<16xf32>
    %eq3A_33 = arith.cmpf oeq, %scan3A_21#3, %select_n3A_30 : vector<16xf32>
    %lt3A_34 = arith.cmpi slt, %scan3A_21#7, %select_n3A_31 : vector<16xi32>
    %and3A_35 = arith.andi %eq3A_33, %lt3A_34 : vector<16xi1>
    %or3A_36 = arith.ori %lt3A_32, %and3A_35 : vector<16xi1>
    %select_n3A_37 = arith.select %or3A_36, %scan3A_21#3, %select_n3A_30 : vector<16xi1>, vector<16xf32>
    %select_n3A_38 = arith.select %or3A_36, %scan3A_21#7, %select_n3A_31 : vector<16xi1>, vector<16xi32>
    %reduce_min3A = arith.constant true
    %reduce_min3A_39 = vector.broadcast %reduce_min3A : i1 to vector<16xi1>
    %reduce_min3A_40 = tpu.scan <min>, %select_n3A_37 masked %reduce_min3A_39 : vector<16xf32>, vector<16xi1> -> vector<16xf32>
    %reduce_min3A_41 = vector.extract %reduce_min3A_40[15] : f32 from vector<16xf32>
    %eq3A_42 = vector.broadcast %reduce_min3A_41 : f32 to vector<16xf32>
    %eq3A_43 = arith.cmpf oeq, %select_n3A_37, %eq3A_42 : vector<16xf32>
    %jit3A = arith.constant 32768 : i32
    %broadcast_in_dim3A_44 = vector.broadcast %jit3A : i32 to vector<16xi32>
    %select_n3A_45 = arith.select %eq3A_43, %select_n3A_38, %broadcast_in_dim3A_44 : vector<16xi1>, vector<16xi32>
    %reduce_min3A_46 = arith.constant true
    %reduce_min3A_47 = vector.broadcast %reduce_min3A_46 : i1 to vector<16xi1>
    %reduce_min3A_48 = arith.constant -2147483648 : i32
    %reduce_min3A_49 = vector.broadcast %reduce_min3A_48 : i32 to vector<16xi32>
    %reduce_min3A_50 = arith.xori %select_n3A_45, %reduce_min3A_49 : vector<16xi32>
    %reduce_min3A_51 = tpu.scan <min>, %reduce_min3A_50 masked %reduce_min3A_47 : vector<16xi32>, vector<16xi1> -> vector<16xi32>
    %reduce_min3A_52 = arith.xori %reduce_min3A_51, %reduce_min3A_49 : vector<16xi32>
    %reduce_min3A_53 = vector.extract %reduce_min3A_52[15] : i32 from vector<16xi32>
    %eq3A_54 = arith.constant 0 : i32
    %eq3A_55 = vector.broadcast %eq3A_54 : i32 to vector<16xi32>
    %eq3A_56 = arith.cmpi eq, %iota3A, %eq3A_55 : vector<16xi32>
    %broadcast_in_dim3A_57 = vector.broadcast %reduce_min3A_53 : i32 to vector<16xi32>
    %select_n3A_58 = arith.select %eq3A_56, %broadcast_in_dim3A_57, %broadcast_in_dim3A_8 : vector<16xi1>, vector<16xi32>
    %swap3A = arith.constant 0 : index
    %swap3A_59 = tpu.vector_load %arg6[%swap3A] {strides = array<i32>} : memref<16xi32, #tpu.memory_space<vmem>>, vector<16xi32>,
    tpu.vector_store %arg6[%swap3A], %select_n3A_58 {strides = array<i32>} : memref<16xi32, #tpu.memory_space<vmem>>, vector<16xi32>,
    %add3A_60 = arith.constant 0 : i32
    %add3A_61 = arith.addi %mul3A_2, %add3A_60 : i32
    "tpu.region"() ({
      %run_scoped3A = tpu.sem_alloc : memref<!tpu.dma_semaphore, #tpu.memory_space<semaphore_mem>>
      %dma_start3A_62 = arith.constant 0 : i32
      %dma_start3A_63 = tpu.memref_slice %arg3[%add3A_61, %dma_start3A_62] : memref<32x16xi32, #tpu.memory_space<hbm>> -> memref<1x16xi32, #tpu.memory_space<hbm>>
      %dma_start3A_64 = tpu.memref_squeeze %dma_start3A_63 : memref<1x16xi32, #tpu.memory_space<hbm>> -> memref<16xi32, #tpu.memory_space<hbm>>
      %dma_start3A_65 = arith.constant 0 : i32
      %dma_start3A_66 = tpu.memref_slice %arg3[%add3A_61, %dma_start3A_65] : memref<32x16xi32, #tpu.memory_space<hbm>> -> memref<1x16xi32, #tpu.memory_space<hbm>>
      %dma_start3A_67 = tpu.memref_squeeze %dma_start3A_66 : memref<1x16xi32, #tpu.memory_space<hbm>> -> memref<16xi32, #tpu.memory_space<hbm>>
      tpu.enqueue_dma source(%arg6 : memref<16xi32, #tpu.memory_space<vmem>>) target(%dma_start3A_67 : memref<16xi32, #tpu.memory_space<hbm>>) target_semaphore(%run_scoped3A : memref<!tpu.dma_semaphore, #tpu.memory_space<semaphore_mem>>)
      %dma_wait3A_68 = arith.constant 0 : i32
      %dma_wait3A_69 = tpu.memref_slice %arg3[%add3A_61, %dma_wait3A_68] : memref<32x16xi32, #tpu.memory_space<hbm>> -> memref<1x16xi32, #tpu.memory_space<hbm>>
      %dma_wait3A_70 = tpu.memref_squeeze %dma_wait3A_69 : memref<1x16xi32, #tpu.memory_space<hbm>> -> memref<16xi32, #tpu.memory_space<hbm>>
      %dma_wait3A_71 = arith.constant 0 : i32
      %dma_wait3A_72 = tpu.memref_slice %arg3[%add3A_61, %dma_wait3A_71] : memref<32x16xi32, #tpu.memory_space<hbm>> -> memref<1x16xi32, #tpu.memory_space<hbm>>
      %dma_wait3A_73 = tpu.memref_squeeze %dma_wait3A_72 : memref<1x16xi32, #tpu.memory_space<hbm>> -> memref<16xi32, #tpu.memory_space<hbm>>
      tpu.wait_dma2 semaphore(%run_scoped3A : memref<!tpu.dma_semaphore, #tpu.memory_space<semaphore_mem>>) src(%arg6 : memref<16xi32, #tpu.memory_space<vmem>>) dst(%dma_wait3A_73 : memref<16xi32, #tpu.memory_space<hbm>>)
      tpu.yield
    }) : () -> ()
    return
  }
}

module attributes {stable_mosaic.version = 14 : i64} {
  func.func @_argmin_tc_body(%arg0: i32, %arg1: memref<16x32768xf32, #tpu.memory_space<vmem>>, %arg2: memref<1x1x16xi32, #tpu.memory_space<vmem>>) attributes {dimension_semantics = [#tpu.dimension_semantics<arbitrary>], iteration_bounds = array<i64: 6>, scalar_prefetch = 0 : i64, scratch_operands = 0 : i64, tpu.core_type = #tpu.core_type<tc>, window_params = [{transform_indices = @transform_0, window_bounds = array<i64: 16, 32768>}, {transform_indices = @transform_1, window_bounds = array<i64: 1, 1, 16>}]} {
    %get3A = arith.constant 0 : index
    %get3A_0 = arith.constant 0 : index
    %get3A_1 = vector.load %arg1[%get3A, %get3A_0] : memref<16x32768xf32, #tpu.memory_space<vmem>>, vector<16x32768xf32>
    %reduce_min3A = arith.constant dense<0x7F800000> : vector<16xf32>
    %reduce_min3A_2 = vector.multi_reduction <minimumf>, %get3A_1, %reduce_min3A [1] : vector<16x32768xf32> to vector<16xf32>
    %broadcast_in_dim3A = vector.shape_cast %reduce_min3A_2 : vector<16xf32> to vector<16x1xf32>
    %iota3A = tpu.iota {dimensions = array<i32: 1>} : vector<16x32768xi32>
    %eq3A = vector.broadcast %broadcast_in_dim3A : vector<16x1xf32> to vector<16x32768xf32>
    %eq3A_3 = arith.cmpf oeq, %get3A_1, %eq3A : vector<16x32768xf32>
    %jit3A = arith.constant 32768 : i32
    %broadcast_in_dim3A_4 = vector.broadcast %jit3A : i32 to vector<16x32768xi32>
    %select_n3A = arith.select %eq3A_3, %iota3A, %broadcast_in_dim3A_4 : vector<16x32768xi1>, vector<16x32768xi32>
    %reduce_min3A_5 = arith.constant dense<2147483647> : vector<16xi32>
    %reduce_min3A_6 = vector.multi_reduction <minsi>, %select_n3A, %reduce_min3A_5 [1] : vector<16x32768xi32> to vector<16xi32>
    %reshape3A = vector.shape_cast %reduce_min3A_6 : vector<16xi32> to vector<1x1x16xi32>
    %swap3A = arith.constant 0 : index
    %swap3A_7 = arith.constant 0 : index
    %swap3A_8 = arith.constant 0 : index
    %swap3A_9 = vector.load %arg2[%swap3A, %swap3A_7, %swap3A_8] : memref<1x1x16xi32, #tpu.memory_space<vmem>>, vector<1x1x16xi32>
    tpu.vector_store %arg2[%swap3A, %swap3A_7, %swap3A_8], %reshape3A {strides = array<i32>} : memref<1x1x16xi32, #tpu.memory_space<vmem>>, vector<1x1x16xi32>,
    return
  }
  func.func @transform_0(%arg0: i32) -> (i32, i32) {
    %add3A = arith.constant 2 : i32
    %add3A_0 = arith.addi %arg0, %add3A : i32
    %c0_i32 = arith.constant 0 : i32
    %c0_i32_1 = arith.constant 0 : i32
    return %add3A_0, %c0_i32 : i32, i32
  }
  func.func @transform_1(%arg0: i32) -> (i32, i32, i32) {
    %c0_i32 = arith.constant 0 : i32
    %c0_i32_0 = arith.constant 0 : i32
    %c0_i32_1 = arith.constant 0 : i32
    return %arg0, %c0_i32, %c0_i32_0 : i32, i32, i32
  }
}

</mosaic_0001>

<sc_bundles>
// kernel: kernel.4.cloned.1.call-start
scs
__scs_entry_jumppad:
0x0: {  	(pc) =	sbr.rel $0x88, $3  }
0x1: {  	(tag) =	ssettag $0x0;
	lr =	simm.s32 $0x1  }
0x2: {  	[smem:$0x3FA0] =	sst lr;
	_ =	strace $0xD0000000  }
0x3: {  	_ = 	snop  }
0x4: {  	_ = 	snop  }
0x5: {  	_ = 	snop  }
0x6: {  	_ = 	snop  }
0x7: {  	_ = 	snop  }
__scs_overlays_trampoline_lowered:
0x8: {  	[smem:$0x3FAF] =	sst s0  }
0x9: {  	[smem:$0x3FB0] =	sst s1  }
0xa: {  	[smem:$0x3FB1] =	sst s2  }
0xb: {  	[smem:$0x3FB2] =	sst s3  }
0xc: {  	[smem:$0x3FB3] =	sst s4  }
0xd: {  	[smem:$0x3FB4] =	sst s5  }
0xe: {  	[smem:$0x3FB5] =	sst s6  }
0xf: {  	[smem:$0x3FB6] =	sst s7  }
0x10: {  	[smem:$0x3FB7] =	sst s8  }
0x11: {  	[smem:$0x3FB8] =	sst s9;
	s0 =	simm.s32 @!p0 $0x0  }
0x12: {  	s1 =	sld [smem:$0x3F9E];
	s0 =	simm.s32 @p0 $0x1  }
0x13: {  	[smem:$0x3FB9] =	sst s0;
	s0 =	simm.s32 @!p1 $0x0  }
0x14: {  	s2 =	sld [smem:$0x3F9D];
	s0 =	simm.s32 @p1 $0x1  }
0x15: {  	[smem:$0x3FBA] =	sst s0;
	s0 =	simm.s32 @!p2 $0x0  }
0x16: {  	s3 =	sld [smem:$0x3FDB];
	s0 =	simm.s32 @p2 $0x1  }
0x17: {  	s4 =	simm.s32 $0x1BF5;
	[smem:$0x3FBC] =	sst s0  }
0x18: {  	s0 =	sld [smem:$0x3F9F];
	_ =	swait.ge [sflag:s4], $0x0  }
0x19: {  	s7 =	sld [smem:$0x3FA0]  }
0x1a: {  	s8 =	sadd.s32 $0xFFFFE003, lr  }
0x1b: {  	s9 =	sadd.s32 $0xFFFFFEF7, lr;
	s5 =	simm.s32 $0xFFFFFFFF;
	p2 =	slt.u32 s8, $0xFFFFF086  }
0x1c: {  	p1 =	slt.u32 s9, $0xF7A;
	s5 =	simm.s32 @!p2 $0x0  }
0x1d: {  	s5 =	simm.s32 @p1 $0x1;
	p0 =	seq.s32 s7, s2  }
0x1e: {  	s7 =	smul.u32 @!p0 $0xF7A, s2;
	p2 =	seq.s32 @!p0 s5, $0x0  }
0x1f: {  	s9 =	smul.u32 $0xF7A, s1;
	s8 =	simm.s32 @!p0 $0x1BF5;
	p2 =	por !p2, p0  }
0x20: {  	[sflag:s8] =	ssyncset.s32 @!p0 $0xFFFFF086;
	s6 =	sadd.s32 @!p0 s3, s7;
	s7 =	simm.s32 @!p0 $0x108  }
0x21: {  	s3 =	sadd.s32 s3, s9;
	s6 =	sadd.s32 @!p0 $0x88, s6;
	s7 =	simm.s32 @p2 $0x1082  }
0x22: {  	[simem:s7], [sflag:s8] =	dma.local @!p0 [hbm:s6], $0xF7A  }
0x23: {  	s9 =	sor.u32 $0xD0000000, s2;
	s6 =	simm.s32 $0x108;
	_ =	swait.ge @!p0 [sflag:s8], $0x0  }
0x24: {  	s3 =	sadd.s32 $0x88, s3;
	s6 =	simm.s32 @!p1 $0x1082;
	[sflag:s4] =	ssyncset.s32 $0xFFFFF086  }
0x25: {  	[simem:s6], [sflag:s4] =	dma.local [hbm:s3], $0xF7A  }
0x26: {  	[smem:$0x3FA0] =	sst s1;
	(tag) =	ssettag s2;
	_ =	strace s9  }
0x27: {  	s1 =	sld [smem:$0x3FB0]  }
0x28: {  	s2 =	sld [smem:$0x3FB1]  }
0x29: {  	s4 =	sld [smem:$0x3FB3]  }
0x2a: {  	p0 =	seq.s32 s5, $0x0;
	s5 =	sld [smem:$0x3FB4]  }
0x2b: {  	s6 =	sld [smem:$0x3FB5]  }
0x2c: {  	s7 =	sld [smem:$0x3FB6]  }
0x2d: {  	s3 =	simm.s32 $0x108;
	s8 =	sld [smem:$0x3FB7]  }
0x2e: {  	s3 =	simm.s32 @!p0 $0x1082;
	s9 =	sld [smem:$0x3FB8]  }
0x2f: {  	lr =	sadd.s32 s0, s3;
	s0 =	sld [smem:$0x3FAF]  }
0x30: {  	s3 =	sld [smem:$0x3FB2]  }
0x31: {  	[smem:$0x3FBB] =	sst s10  }
0x32: {  	s10 =	sld [smem:$0x3FB9];
	_ =	sdelay $0x3  }
0x33: {  	p0 =	seq.s32 s10, $0x1;
	s10 =	sld [smem:$0x3FBB];
	_ =	sdelay $0x3  }
0x34: {  	[smem:$0x3FBB] =	sst s10  }
0x35: {  	s10 =	sld [smem:$0x3FBA];
	_ =	sdelay $0x3  }
0x36: {  	p1 =	seq.s32 s10, $0x1;
	s10 =	sld [smem:$0x3FBB];
	_ =	sdelay $0x3  }
0x37: {  	[smem:$0x3FBB] =	sst s10  }
0x38: {  	s10 =	sld [smem:$0x3FBC]  }
0x39: {  	_ = 	snop;
	(pc) =	sbr.ind lr, $3  }
0x3a: {  	_ = 	snop  }
0x3b: {  	_ = 	snop  }
0x3c: {  	p2 =	seq.s32 s10, $0x1;
	s10 =	sld [smem:$0x3FBB]  }
0x3d: {  	_ =	shalt  }
0x3e: {  	_ =	shalt  }
0x3f: {  	_ =	shalt  }
0x40: {  	_ =	shalt  }
0x41: {  	_ =	shalt  }
0x42: {  	_ =	shalt  }
0x43: {  	_ =	shalt  }
0x44: {  	_ =	shalt  }
0x45: {  	_ =	shalt  }
0x46: {  	_ =	shalt  }
0x47: {  	_ =	shalt  }
0x48: {  	_ =	shalt  }
0x49: {  	_ =	shalt  }
0x4a: {  	_ =	shalt  }
0x4b: {  	_ =	shalt  }
0x4c: {  	_ =	shalt  }
0x4d: {  	_ =	shalt  }
0x4e: {  	_ =	shalt  }
0x4f: {  	_ =	shalt  }
0x50: {  	_ =	shalt  }
0x51: {  	_ =	shalt  }
0x52: {  	_ =	shalt  }
0x53: {  	_ =	shalt  }
0x54: {  	_ =	shalt  }
0x55: {  	_ =	shalt  }
0x56: {  	_ =	shalt  }
0x57: {  	_ =	shalt  }
0x58: {  	_ =	shalt  }
0x59: {  	_ =	shalt  }
0x5a: {  	_ =	shalt  }
0x5b: {  	_ =	shalt  }
0x5c: {  	_ =	shalt  }
0x5d: {  	_ =	shalt  }
0x5e: {  	_ =	shalt  }
0x5f: {  	_ =	shalt  }
0x60: {  	_ =	shalt  }
0x61: {  	_ =	shalt  }
0x62: {  	_ =	shalt  }
0x63: {  	_ =	shalt  }
0x64: {  	_ =	shalt  }
0x65: {  	_ =	shalt  }
0x66: {  	_ =	shalt  }
0x67: {  	_ =	shalt  }
0x68: {  	_ =	shalt  }
0x69: {  	_ =	shalt  }
0x6a: {  	_ =	shalt  }
0x6b: {  	_ =	shalt  }
0x6c: {  	_ =	shalt  }
0x6d: {  	_ =	shalt  }
0x6e: {  	_ =	shalt  }
0x6f: {  	_ =	shalt  }
0x70: {  	_ =	shalt  }
0x71: {  	_ =	shalt  }
0x72: {  	_ =	shalt  }
0x73: {  	_ =	shalt  }
0x74: {  	_ =	shalt  }
0x75: {  	_ =	shalt  }
0x76: {  	_ =	shalt  }
0x77: {  	_ =	shalt  }
0x78: {  	_ =	shalt  }
0x79: {  	_ =	shalt  }
0x7a: {  	_ =	shalt  }
0x7b: {  	_ =	shalt  }
0x7c: {  	_ =	shalt  }
0x7d: {  	_ =	shalt  }
0x7e: {  	_ =	shalt  }
0x7f: {  	_ =	shalt  }
0x80: {  	_ =	shalt  }
0x81: {  	_ =	shalt  }
0x82: {  	_ =	shalt  }
0x83: {  	_ =	shalt  }
0x84: {  	_ =	shalt  }
0x85: {  	_ =	shalt  }
0x86: {  	_ =	shalt  }
0x87: {  	_ =	shalt  }
.Lfunc_end0:
.L_simem_size_0:
called_computation_lowered:
.L_overlay_start_0:
0x88: {  	s2 =	sld [smem:$0x3FD9]  }
0x89: {  	s3 =	sld [smem:$0x3FFE];
	_ =	sdelay $0x1  }
0x8a: {  	s1 =	srdreg.scid  }
0x8b: {  	s0 =	sand.u32 $0x1, s1  }
0x8c: {  	s17 =	sshll.u32 s0, $0xA;
	s2 =	sadd.s32 s3, s2  }
0x8d: {  	s2 =	sadd.s32 s2, s17  }
0x8e: {  	[smem:$0x3FC7] =	sst s2  }
0x8f: {  	_ = 	snop  }
0x90: {  	s2 =	sld [smem:$0x3FC9];
	(tm) =	ssettm $0x1  }
0x91: {  	s18 =	sld [smem:$0x3FFB];
	_ =	sdelay $0x3  }
0x92: {  	_ =	strace s18  }
0x93: {  	s3 =	sld [smem:$0x3FFC];
	_ =	sdelay $0x3  }
0x94: {  	_ =	strace s3  }
0x95: {  	s3 =	sld [smem:$0x3FFD];
	_ =	sdelay $0x3  }
0x96: {  	_ =	strace s3  }
0x97: {  	_ =	strace $0x8FFFFFFF  }
0x98: {  	s19 =	sld [smem:$0x3FDB];
	_ =	sdelay $0x1  }
0x99: {  	s4 =	simm.s32 $_scs_section_size  }
0x9a: {  	s5 =	simm.s32 $_size__tile_overlayer_lowered;
	s6 =	simm.s32 $_tile_overlayer_lowered  }
0x9b: {  	s22 =	simm.s32 $0x1BFF;
	s21 =	sshll.u32 s6, $0x1;
	s3 =	sadd.s32 s4, s19  }
0x9c: {  	s7 =	simm.s32 $0x0;
	s20 =	sshll.u32 s5, $0x1;
	s5 =	sadd.s32 s21, s3  }
0x9d: {  	[timem:s7], [sflag:s22] =	dma.local [hbm:s5], s20  }
0x9e: {  	_ =	swait.ge [sflag:s22], s20  }
0x9f: {  	s4 =	ssub.s32 $0x0, s20;
	[sflag:s22] =	ssyncset.done $0x0  }
0xa0: {  	[sflag:s22] =	ssyncadd.s32 s4;
	_ =	sdelay $0x1  }
0xa1: {  	s23 =	simm.s32 $0x1B8B  }
0xa2: {  	_ =	swait.ge [sflag:s23], $0x1  }
0xa3: {  	[sflag:s23] =	ssyncset.done $0x0  }
0xa4: {  	s25 =	simm.s32 $0x1B8E;
	s24 =	sld [smem:$0x3FFE];
	[sflag:s23] =	ssyncadd.s32 $0xFFFFFFFF  }
0xa5: {  	s26 =	simm.s32 $execute0_lowered;
	[smem:$0x3FD2] =	sst s25  }
0xa6: {  	s5 =	sshll.u32 s26, $0x1;
	_ =	strace $0x80000046;
	[dreg:$0x1] =	wrdreg $0xFFFFFFFF  }
0xa7: {  	s28 =	simm.s32 $_size_execute0_lowered;
	s3 =	sadd.s32 s3, s5;
	[dreg:$0x0] =	wrdreg $0x0  }
0xa8: {  	s5 =	sshll.u32 s28, $0x1;
	[dreg:$0x2] =	wrdreg s3  }
0xa9: {  	[dreg:$0x3] =	wrdreg s5  }
0xaa: {  	[dreg:$0x4] =	wrdreg $0xC0  }
0xab: {  	_ =	task [dreg:s7], $0x5FFFF  }
0xac: {  	[dreg:$0x1] =	wrdreg $0xFFFFFFFF  }
0xad: {  	[dreg:$0x0] =	wrdreg $0x60  }
0xae: {  	[dreg:$0x2] =	wrdreg s2  }
0xaf: {  	[dreg:$0x3] =	wrdreg s24  }
0xb0: {  	[dreg:$0x4] =	wrdreg $0x9  }
0xb1: {  	_ =	task.clear_ibuf [dreg:s7], $0x5FFFF;
	_ =	strace $0x90000046  }
0xb2: {  	s29 =	simm.s32 $0x9;
	_ =	strace $0x80000048  }
0xb3: {  	_ =	swait.ge [sflag:s29], $0x1  }
0xb4: {  	[sflag:s29] =	ssyncadd.s32 $0xFFFFFFFF  }
0xb5: {  	_ =	strace $0x90000048  }
0xb6: {  	_ =	sfence  }
0xb7: {  	s30 =	sld [smem:$0x0];
	_ =	sdelay $0x2  }
0xb8: {  	s31 =	sshll.u32 s1, $0xD;
	s1 =	sshrl.u32 s1, $0x2  }
0xb9: {  	s3 =	sand.u32 $0x4000, s31;
	s1 =	sadd.s32 s1, s30  }
0xba: {  	s0 =	sor.u32 s3, s0;
	s1 =	sshll.u32 s1, $0x11  }
0xbb: {  	s0 =	sor.u32 s1, s0  }
0xbc: {  	s0 =	sadd.s32 $0x8F2B, s0  }
0xbd: {  	[sflag:s0] =	ssyncadd.remote.s32 $0x1  }
0xbe: {  	_ =	sfence.sel $0xFFFF  }
0xbf: {  	[dreg:$0x0] =	wrdreg $0xFFFFFFFF;
	(pc) =	sbr.abs _section_cstart, $3  }
0xc0: {  	[dreg:$0x1] =	wrdreg $0xFFFFFFFF  }
0xc1: {  	_ =	task.clear_ibuf [dreg:s7], $0x2FFFF;
	_ =	strace $0x9FFFFFFF  }
0xc2: {  	(tm) =	ssettm $0x7FFFFFFF  }
0xc3: {  	_ =	shalt  }
tec
execute0_lowered:
.L_overlay_start_1:
0x0: {  	(tag) =	ssettag $0x1  }
0x1: {  	s3 =	rddreg [dreg:$0x0]  }
0x2: {  	s4 =	rddreg [dreg:$0x1]  }
0x3: {  	s0 =	rddreg [dreg:$0x2];
	s2 =	simm.s32 $0x0  }
0x4: {  	s5 =	srdreg.scid;
	s1 =	stileid.u32;
	s9 =	simm.s32 $0x2  }
0x5: {  	s10 =	simm.s32 $0x0;
	[smem:$0x7FF] =	sst s2;
	s5 =	sand.u32 $0x1, s5  }
0x6: {  	s6 =	sshll.u32 s1, $0x8;
	s7 =	sshrl.u32 s1, $0x2;
	_ =	strace $0x80000047  }
0x7: {  	s8 =	sshll.u32 s5, $0x7;
	s6 =	sand.u32 $0x300, s6;
	s30 =	sshll.u32 s7, $0x12  }
0x8: {  	s7 =	sshll.u32 s7, $0xA;
	s5 =	ssub.s32 $0x2, s5;
	s6 =	sor.u32 s8, s6  }
0x9: {  	s31 =	sshrl.u32 s5, $0x1;
	s8 =	sor.u32 s30, s6;
	s6 =	sor.u32 s7, s6  }
0xa: {  	s5 =	ssub.s32 s5, s31;
	s7 =	simm.s32 $0x1;
	s8 =	sshrl.u32 s8, $0x3  }
0xb: {  	s6 =	sshrl.u32 s6, $0x3;
	s5 =	smax.u32 s5, $0x1;
	s3 =	sadd.s32 s3, s8  }
0xc: {  	v0 =	vlaneseq.u32;
	vm0 =	vcmask $0x300;
	s4 =	sadd.s32 s4, s6;
	s6 =	simm.s32 $0x400;
	s8 =	simm.s32 $0x8000  }
.LBB2_1:
0xd: {  	s11 =	simm.s32 $0x80  }
0xe: {  	[tilespmem:s2], [sflag:$0x1] =	stream.strided.gather [hbm4b:s3+s11], $0x8000, s6, s11, $0x38;
	[tilespmem:$0x8080] =	vst v63  }
0xf: {  	_ =	swait.ge [sflag:s7], $0x8000  }
0x10: {  	[sflag:s7] =	ssyncset.done $0x0  }
0x11: {  	[sflag:s7] =	ssyncadd.s32 $0xFFFF8000  }
0x12: {  	v6 =	vld [tilespmem:s11+$0xFFFFFF80]  }
0x13: {  	v8 =	vld [tilespmem:s11+$0xFFFFFFC0]  }
0x14: {  	v7 =	vimm.f32 $+Inf;
	s12 =	simm.s32 $0xF0;
	v13 =	vld [tilespmem:s11+$0x40]  }
0x15: {  	s13 =	simm.s32 $0xC0;
	v5 =	vimm.s32 $0x0;
	s14 =	simm.s32 $0xD0;
	s15 =	simm.s32 $0xE0;
	v15 =	vimm.f32 $+Inf;
	v1 =	vor.u32 s12, v0;
	v3 =	vld [tilespmem:s11+$0x50]  }
0x16: {  	s26 =	simm.s32 $0x0;
	s16 =	simm.s32 $0x80;
	v17 =	vor.u32 s13, v0;
	v4 =	vor.u32 s14, v0;
	v2 =	vor.u32 s15, v0;
	v18 =	vld [tilespmem:s11+$0x0]  }
0x17: {  	s28 =	simm.s32 $0x90;
	s29 =	simm.s32 $0x40;
	v9 =	vor.u32 s26, v0;
	v22 =	vor.u32 s16, v0;
	v12 =	vld [tilespmem:s11+$0x10];
	vm1 =	vlt.f32 v6, v7  }
0x18: {  	s30 =	simm.s32 $0xA0;
	v11 =	vor.u32 s28, v0;
	v14 =	vor.u32 s29, v0;
	v16 =	vld [tilespmem:s11+$0xFFFFFFD0];
	v6 =	vsel vm1, v6, v7  }
0x19: {  	s31 =	simm.s32 $0xB0;
	v19 =	vld [tilespmem:s11+$0xFFFFFF90];
	v10 =	vsel vm1, v9, v5;
	v9 =	vor.u32 s30, v0;
	vm1 =	vlt.f32 v8, v6  }
0x1a: {  	v20 =	vld [tilespmem:s11+$0xFFFFFFA0];
	v24 =	vsel vm1, v8, v6;
	v23 =	vsel vm1, v14, v10;
	v10 =	vor.u32 s31, v0  }
0x1b: {  	s15 =	simm.s32 $0x50;
	s14 =	simm.s32 $0x60;
	s13 =	simm.s32 $0x1F0;
	v21 =	vld [tilespmem:s11+$0xFFFFFFB0];
	v14 =	vimm.f32 $+Inf;
	v8 =	vimm.s32 $0x0;
	v6 =	vimm.s32 $0x0  }
.LBB2_2:
0x1c: {  	p0 =	sne.s32 s13, $0x7FF0;
	v25 =	vor.u32 s15, v0;
	v26 =	vld [tilespmem:s11+$0xFFFFFFE0];
	v27 =	vor.u32 s14, v0;
	s14 =	sadd.s32 $0xFFFFFF80, s12;
	vm1 =	vlt.f32 v18, v24  }
0x1d: {  	s15 =	sadd.s32 $0xFFFFFF20, s12;
	s16 =	sadd.s32 $0xFFFFFF30, s12;
	v28 =	vld [tilespmem:s11+$0xFFFFFFF0];
	v29 =	vor.u32 s14, v0;
	v18 =	vsel vm1, v18, v24;
	v22 =	vsel vm1, v22, v23  }
0x1e: {  	v23 =	vor.u32 s15, v0;
	v24 =	vor.u32 s16, v0;
	s14 =	sadd.s32 $0xFFFFFF40, s12;
	s12 =	smov.u32 s13;
	v30 =	vld [tilespmem:s11+$0x20];
	vm1 =	vlt.f32 v13, v18  }
0x1f: {  	v31 =	vor.u32 s14, v0;
	v32 =	vld [tilespmem:s11+$0x30];
	v33 =	vsel vm1, v13, v18;
	v34 =	vsel vm1, v17, v22  }
0x20: {  	vm1 =	vlt.f32 v19, v7;
	vm2 =	vlt.f32 v20, v14;
	vm3 =	vlt.f32 v21, v15;
	v13 =	vld [tilespmem:s11+$0x60]  }
0x21: {  	v7 =	vsel vm1, v19, v7;
	v14 =	vsel vm2, v20, v14;
	v15 =	vsel vm3, v21, v15;
	v17 =	vld [tilespmem:s11+$0x70]  }
0x22: {  	vm4 =	vlt.f32 v16, v7;
	vm5 =	vlt.f32 v26, v14;
	vm6 =	vlt.f32 v28, v15  }
0x23: {  	v7 =	vsel vm4, v16, v7;
	v14 =	vsel vm5, v26, v14;
	v15 =	vsel vm6, v28, v15  }
0x24: {  	vm7 =	vlt.f32 v12, v7;
	vm8 =	vlt.f32 v30, v14;
	vm9 =	vlt.f32 v32, v15  }
0x25: {  	v7 =	vsel vm7, v12, v7;
	v12 =	vsel vm8, v30, v14;
	v15 =	vsel vm9, v32, v15  }
0x26: {  	vm10 =	vlt.f32 v3, v7;
	vm11 =	vlt.f32 v13, v12;
	vm12 =	vlt.f32 v17, v15  }
0x27: {  	s11 =	sadd.s32 $0x100, s11;
	v7 =	vsel vm10, v3, v7;
	v14 =	vsel vm11, v13, v12;
	v15 =	vsel vm12, v17, v15  }
0x28: {  	v6 =	vsel vm3, v31, v6;
	v3 =	vsel vm1, v23, v5;
	v5 =	vsel vm2, v24, v8;
	v13 =	vld [tilespmem:s11+$0x40]  }
0x29: {  	v6 =	vsel vm6, v29, v6;
	v8 =	vsel vm4, v25, v3;
	v5 =	vsel vm5, v27, v5;
	v19 =	vld [tilespmem:s11+$0xFFFFFF80]  }
0x2a: {  	v6 =	vsel vm9, v10, v6;
	v8 =	vsel vm7, v11, v8;
	v9 =	vsel vm8, v9, v5;
	v3 =	vld [tilespmem:s11+$0x50]  }
0x2b: {  	v6 =	vsel vm12, v1, v6;
	v5 =	vsel vm10, v4, v8;
	v8 =	vsel vm11, v2, v9;
	v10 =	vld [tilespmem:s11+$0xFFFFFFC0]  }
0x2c: {  	s15 =	sadd.s32 $0xFFFFFFE0, s13;
	s16 =	sadd.s32 $0xFFFFFFF0, s13;
	s14 =	sadd.s32 $0xFFFFFFD0, s13;
	v1 =	vor.u32 s13, v0;
	v18 =	vld [tilespmem:s11+$0x0]  }
.Ltmp0:
0x2d: {  	s17 =	sadd.s32 $0xFFFFFF10, s13;
	s18 =	sadd.s32 $0xFFFFFF90, s13;
	v17 =	vor.u32 s14, v0;
	v4 =	vor.u32 s15, v0;
	v2 =	vor.u32 s16, v0;
	v12 =	vld [tilespmem:s11+$0x10];
	(pc) =	sbr.rel @p0 .LBB2_2-.Ltmp0, $4  }
0x2e: {  	v22 =	vor.u32 s18, v0;
	s14 =	sadd.s32 $0xFFFFFFA0, s13;
	v9 =	vor.u32 s17, v0;
	vm1 =	vlt.f32 v19, v33;
	v16 =	vld [tilespmem:s11+$0xFFFFFFD0]  }
0x2f: {  	v11 =	vor.u32 s14, v0;
	s14 =	sadd.s32 $0xFFFFFFB0, s13;
	s15 =	sadd.s32 $0xFFFFFF50, s13;
	v23 =	vsel vm1, v19, v33;
	v25 =	vsel vm1, v9, v34;
	v19 =	vld [tilespmem:s11+$0xFFFFFF90]  }
0x30: {  	s16 =	sadd.s32 $0xFFFFFFC0, s13;
	v26 =	vor.u32 s15, v0;
	v9 =	vor.u32 s14, v0;
	v20 =	vld [tilespmem:s11+$0xFFFFFFA0];
	vm1 =	vlt.f32 v10, v23  }
0x31: {  	s13 =	sadd.s32 $0x100, s13;
	s15 =	sadd.s32 $0xFFFFFF60, s12;
	s14 =	sadd.s32 $0xFFFFFF70, s12;
	v21 =	vld [tilespmem:s11+$0xFFFFFFB0];
	v24 =	vsel vm1, v10, v23;
	v23 =	vsel vm1, v26, v25;
	v10 =	vor.u32 s16, v0  }
0x32: {  	v25 =	vor.u32 s15, v0;
	s13 =	sadd.s32 $0xFFFFFF80, s12;
	vm1 =	vlt.f32 v18, v24  }
0x33: {  	v27 =	vor.u32 s14, v0;
	s28 =	sadd.s32 $0xFFFFFF20, s12;
	s29 =	sadd.s32 $0xFFFFFF30, s12;
	v28 =	vor.u32 s13, v0;
	v18 =	vsel vm1, v18, v24  }
0x34: {  	v26 =	vld [tilespmem:s11+$0xFFFFFFE0];
	s30 =	sadd.s32 $0xFFFFFF40, s12;
	v22 =	vsel vm1, v22, v23;
	v53 =	vor.u32 s28, v0;
	v29 =	vor.u32 s29, v0  }
0x35: {  	v52 =	vld [tilespmem:s11+$0xFFFFFFF0];
	v31 =	vor.u32 s30, v0;
	vm1 =	vlt.f32 v13, v18;
	vm3 =	vlt.f32 v19, v7  }
0x36: {  	v13 =	vsel vm1, v13, v18;
	v17 =	vsel vm1, v17, v22;
	vm4 =	vlt.f32 v20, v14  }
0x37: {  	v30 =	vld [tilespmem:s11+$0x20];
	v7 =	vsel vm3, v19, v7;
	v5 =	vsel vm3, v53, v5;
	vm1 =	vlt.f32 v21, v15  }
0x38: {  	v54 =	vld [tilespmem:s11+$0x30];
	v14 =	vsel vm4, v20, v14;
	vm5 =	vlt.f32 v16, v7;
	v59 =	vsel vm4, v29, v8  }
0x39: {  	v15 =	vsel vm1, v21, v15;
	vm6 =	vlt.f32 v26, v14;
	v7 =	vsel vm5, v16, v7  }
0x3a: {  	v55 =	vld [tilespmem:s11+$0x60];
	v5 =	vsel vm5, v25, v5;
	v61 =	vsel vm1, v31, v6;
	vm2 =	vlt.f32 v52, v15  }
0x3b: {  	v14 =	vsel vm6, v26, v14;
	vm7 =	vlt.f32 v12, v7;
	v15 =	vsel vm2, v52, v15  }
0x3c: {  	vm8 =	vlt.f32 v30, v14;
	v7 =	vsel vm7, v12, v7;
	v5 =	vsel vm7, v11, v5  }
0x3d: {  	vm9 =	vlt.f32 v54, v15;
	v57 =	vsel vm8, v30, v14;
	vm3 =	vlt.f32 v3, v7  }
0x3e: {  	v56 =	vld [tilespmem:s11+$0x70];
	v58 =	vsel vm9, v54, v15;
	v3 =	vsel vm3, v3, v7;
	v4 =	vsel vm3, v4, v5  }
0x3f: {  	vm12 =	vlt.f32 v55, v57;
	vm3 =	veq.f32 v3, v13;
	vm14 =	vlt.s32 v4, v17  }
0x40: {  	v5 =	vsel vm6, v27, v59;
	vm15 =	vlt.f32 v3, v13;
	vm3 =	vmand vm3, vm14  }
0x41: {  	v60 =	vsel vm12, v55, v57;
	v5 =	vsel vm8, v9, v5;
	vm3 =	vmor vm15, vm3  }
0x42: {  	v2 =	vsel vm12, v2, v5;
	v3 =	vsel vm3, v3, v13;
	v4 =	vsel vm3, v4, v17  }
0x43: {  	vm13 =	vlt.f32 v56, v58;
	vm1 =	veq.f32 v60, v3;
	vm3 =	vlt.s32 v2, v4  }
0x44: {  	v5 =	vsel vm2, v28, v61;
	vm2 =	vlt.f32 v60, v3;
	vm1 =	vmand vm1, vm3  }
0x45: {  	v62 =	vsel vm13, v56, v58;
	v5 =	vsel vm9, v10, v5;
	vm1 =	vmor vm2, vm1  }
0x46: {  	v1 =	vsel vm13, v1, v5;
	v3 =	vsel vm1, v60, v3;
	v2 =	vsel vm1, v2, v4  }
0x47: {  	vm1 =	veq.f32 v62, v3;
	vm2 =	vlt.s32 v1, v2  }
0x48: {  	vm3 =	vlt.f32 v62, v3;
	vm1 =	vmand vm1, vm2  }
0x49: {  	vm1 =	vmor vm3, vm1  }
0x4a: {  	v3 =	vsel vm1, v62, v3  }
0x4b: {  	(xrf0) =	vmin.scan.msk.f32 $0xffff, v3;
	_ =	sdelay $0x5  }
0x4c: {  	v63, _, _ =	vpop (xrf0)  }
0x4d: {  	v4 =	vbroadcast v63, $0xF  }
0x4e: {  	v1 =	vsel vm1, v1, v2  }
0x4f: {  	v1 =	vxor.u32 $0x80000000, v1;
	vm1 =	veq.f32 v3, v4  }
0x50: {  	v1 =	vnsel vm1, $0x80008000, v1  }
0x51: {  	(xrf0) =	vmin.scan.msk.u32 $0xffff, v1;
	_ =	sdelay $0x5  }
0x52: {  	v1, _, _ =	vpop (xrf0)  }
0x53: {  	(v2sf) =	vpush v1, $0xF;
	_ =	sdelay $0xe  }
0x54: {  	s31 =	spop (v2sf)  }
0x55: {  	s11 =	sxor.u32 $0x80000000, s31  }
0x56: {  	s10 =	sadd.s32 $0x1, s10;
	v1 =	vmov s11  }
0x57: {  	p0 =	sne.s32 s10, s5;
	v1 =	vnsel vm0, $0x0, v1  }
.Ltmp1:
0x58: {  	[tilespmem:$0x8000] =	vst v1;
	(pc) =	sbr.rel @p0 .LBB2_1-.Ltmp1, $4  }
0x59: {  	[hbm4b:s4+s2] =	stream.linear.scatter [tilespmem:s8], [sflag:$0x2], $0x80, $0x38;
	[tilespmem:$0x8080] =	vst v63  }
0x5a: {  	_ =	swait.ge [sflag:s9], $0x80  }
0x5b: {  	[sflag:s9] =	ssyncset.done $0x0  }
0x5c: {  	[sflag:s9] =	ssyncadd.s32 $0xFFFFFF80  }
0x5d: {  	_ =	sfence.sel $0x180000  }
0x5e: {  	[bflag:$0x0] =	sbarrier.arrive $0xFFFF  }
0x5f: {  	p0 =	sne.s32 s1, $0x0;
	_ =	strace $0x90000047  }
0x60: {  	s0 =	sadd.s32 @!p0 $0x100000, s0;
	[bflag:$0x2] =	sbarrier.arrive $0xFFFF  }
0x61: {  	[sflag:s0] =	ssyncadd.tile.s32 @!p0 $0x1;
	_ =	shalt  }
.Lfunc_end2:
_tile_overlayer_lowered:
.L_overlay_start_2:
0x62: {  	(tag) =	ssettag $0x2  }
0x63: {  	s0 =	rddreg [dreg:$0x0];
	s2 =	stileid.u32  }
0x64: {  	s1 =	rddreg [dreg:$0x1];
	p0 =	sne.s32 s2, $0x0  }
0x65: {  	s3 =	rddreg [dreg:$0x2];
	[bflag:$0x3] =	sbarrier.arrive $0xFFFF;
	s2 =	simm.s32 @!p0 $0x1C02  }
0x66: {  	[timem:s3], [sflag:s2] =	dma.local @!p0 [hbm:s0], s1  }
0x67: {  	s0 =	simm.s32 @!p0 $0x2  }
0x68: {  	_ =	swait.ge @!p0 [sflag:s0], s1  }
0x69: {  	s1 =	ssub.s32 @!p0 $0x0, s1;
	[sflag:s0] =	ssyncset.done @!p0 $0x0  }
0x6a: {  	[sflag:s0] =	ssyncadd.s32 @!p0 s1  }
0x6b: {  	[bflag:$0x3] =	sbarrier.arrive $0xFFFF  }
0x6c: {  	_ =	shalt  }

</sc_bundles>
